<compile_context>
chip_gen: v7x
topology: tpu7x:2x2x1
jax: 0.10.2.dev20260603
libtpu: 0.0.44.dev20260713+nightly
codegen_flags: <defaults>
</compile_context>

<pallas_src>
import functools

import jax
import jax.numpy as jnp
from jax.experimental import pallas as pl
from jax.experimental.pallas import tpu as pltpu

B, S, H, F, E, K = 1, 2048, 1024, 2816, 8, 2
T = B * S
TK = T * K
BM = 256
NP = TK + E * BM
NB = NP // BM
BT = 256


def _router_body(x_ref, wr_ref, logits_ref, idx_ref, w_ref):
    x = x_ref[...]
    wr = wr_ref[...]
    logits = jax.lax.dot_general(
        x, wr, (((1,), (1,)), ((), ())), preferred_element_type=jnp.float32)
    logits_ref[...] = logits
    eidx = jax.lax.broadcasted_iota(jnp.int32, (T, E), 1)
    m1 = jnp.max(logits, axis=1, keepdims=True)
    i1 = jnp.min(jnp.where(logits == m1, eidx, E), axis=1, keepdims=True)
    masked = jnp.where(eidx == i1, -jnp.inf, logits)
    m2 = jnp.max(masked, axis=1, keepdims=True)
    i2 = jnp.min(jnp.where(masked == m2, eidx, E), axis=1, keepdims=True)
    w1 = jax.nn.sigmoid(m1 - m2)
    idx_ref[...] = jnp.concatenate([i1, i2], axis=1).astype(jnp.int32)
    w_ref[...] = jnp.concatenate([w1, 1.0 - w1], axis=1)


def _ffn_body(be_ref, tok_ref, x_ref, wg_ref, wu_ref, wd_ref, y_ref):
    i = pl.program_id(0)
    be = be_ref[i]

    @pl.when(be >= 0)
    def _():
        tok = tok_ref[...]
        titer = jax.lax.broadcasted_iota(jnp.int32, (BM, T), 1)
        perm = jnp.where(titer == tok, 1.0, 0.0).astype(jnp.bfloat16)
        xs = jnp.dot(perm, x_ref[...],
                     preferred_element_type=jnp.float32).astype(jnp.bfloat16)
        dnums = (((1,), (1,)), ((), ()))
        g = jax.lax.dot_general(xs, wg_ref[0], dnums,
                                preferred_element_type=jnp.float32)
        u = jax.lax.dot_general(xs, wu_ref[0], dnums,
                                preferred_element_type=jnp.float32)
        act = (g * jax.nn.sigmoid(g) * u).astype(jnp.bfloat16)
        y_ref[...] = jax.lax.dot_general(
            act, wd_ref[0], dnums,
            preferred_element_type=jnp.float32).astype(jnp.bfloat16)

    @pl.when(be < 0)
    def _():
        y_ref[...] = jnp.zeros((BM, H), jnp.bfloat16)


def _combine_body(pos_ref, w_ref, y_ref, out_ref):
    pos = pos_ref[...]
    w = w_ref[...]
    piter = jax.lax.broadcasted_iota(jnp.int32, (BT, NP), 1)
    comb = jnp.where(piter == pos[:, 0:1], w[:, 0:1],
                     jnp.where(piter == pos[:, 1:2], w[:, 1:2],
                               0.0)).astype(jnp.bfloat16)
    out_ref[...] = jnp.dot(comb, y_ref[...], preferred_element_type=jnp.float32)


@jax.jit
def _moe(x, W_router, W_gate, W_up, W_down):
    logits, top_idx, top_w = pl.pallas_call(
        _router_body,
        out_shape=(
            jax.ShapeDtypeStruct((T, E), jnp.float32),
            jax.ShapeDtypeStruct((T, K), jnp.int32),
            jax.ShapeDtypeStruct((T, K), jnp.float32),
        ),
    )(x, W_router)

    e_flat = top_idx.reshape(-1)
    order = jnp.argsort(e_flat, stable=True).astype(jnp.int32)
    tok_sorted = (order // K).astype(jnp.int32)
    e_sorted = e_flat[order]
    counts = jnp.zeros((E,), jnp.int32).at[e_flat].add(1)
    padded = ((counts + BM - 1) // BM) * BM
    cum_padded = jnp.cumsum(padded)
    pad_start = cum_padded - padded
    start = jnp.cumsum(counts) - counts
    dest = pad_start[e_sorted] + (jnp.arange(TK, dtype=jnp.int32) - start[e_sorted])
    row_token = jnp.zeros((NP,), jnp.int32).at[dest].set(tok_sorted)
    pos_flat = jnp.zeros((TK,), jnp.int32).at[order].set(dest)
    pos = pos_flat.reshape(T, K)
    blk_starts = jnp.arange(NB, dtype=jnp.int32) * BM
    block_expert = jnp.searchsorted(cum_padded, blk_starts, side='right').astype(jnp.int32)
    block_expert = jnp.where(blk_starts < cum_padded[-1], block_expert, -1)

    x_bf = x.astype(jnp.bfloat16)
    wg_t = W_gate.astype(jnp.bfloat16)
    wu_t = W_up.astype(jnp.bfloat16)
    wd_t = W_down.astype(jnp.bfloat16)

    y = pl.pallas_call(
        _ffn_body,
        grid_spec=pltpu.PrefetchScalarGridSpec(
            num_scalar_prefetch=1,
            grid=(NB,),
            in_specs=[
                pl.BlockSpec((BM, 1), lambda i, be: (i, 0)),
                pl.BlockSpec((T, H), lambda i, be: (0, 0)),
                pl.BlockSpec((1, F, H), lambda i, be: (jnp.maximum(be[i], 0), 0, 0)),
                pl.BlockSpec((1, F, H), lambda i, be: (jnp.maximum(be[i], 0), 0, 0)),
                pl.BlockSpec((1, H, F), lambda i, be: (jnp.maximum(be[i], 0), 0, 0)),
            ],
            out_specs=pl.BlockSpec((BM, H), lambda i, be: (i, 0)),
        ),
        out_shape=jax.ShapeDtypeStruct((NP, H), jnp.bfloat16),
        compiler_params=pltpu.CompilerParams(
            dimension_semantics=("arbitrary",)),
    )(block_expert, row_token.reshape(NP, 1), x_bf, wg_t, wu_t, wd_t)

    return (x * row_token[:T, None].astype(jnp.float32)
            + pos.sum().astype(jnp.float32) + block_expert.sum()), logits, top_idx
    y = y0
    out = pl.pallas_call(
        _combine_body,
        grid=(T // BT,),
        in_specs=[
            pl.BlockSpec((BT, K), lambda i: (i, 0)),
            pl.BlockSpec((BT, K), lambda i: (i, 0)),
            pl.BlockSpec((NP, H), lambda i: (0, 0)),
        ],
        out_specs=pl.BlockSpec((BT, H), lambda i: (i, 0)),
        out_shape=jax.ShapeDtypeStruct((T, H), jnp.float32),
    )(pos, top_w, y)

    return out, logits, top_idx


def kernel(hidden_states, W_router, W_gate, W_up, W_down):
    x = hidden_states.reshape(T, H)
    out, logits, top_idx = _moe(x, W_router, W_gate, W_up, W_down)
    return (out.reshape(B, S, H), logits.reshape(B, S, E), top_idx.reshape(B, S, K))

# --- scband reference (transcript-rebuilt; emitter-appended) ---
"""Pipeline reference for scband-mixture-of-experts-63531156242852 (READ-ONLY COPY).

The authoritative reference and input builder live on the scoring server;
editing this copy changes nothing except your own understanding.
"""

import jax, jax.numpy as jnp
import numpy as np

B, S, H, F, E, K = 1, 2048, 1024, 2816, 8, 2

def setup_inputs(seed: int = 0) -> dict:
    key = jax.random.key(seed)
    ks = jax.random.split(key, 5)
    hidden_states = jax.random.normal(ks[0], (B, S, H), dtype=jnp.float32)
    W_router = jax.random.normal(ks[1], (E, H), dtype=jnp.float32) * 0.02
    W_gate = jax.random.normal(ks[2], (E, F, H), dtype=jnp.float32) * 0.02
    W_up = jax.random.normal(ks[3], (E, F, H), dtype=jnp.float32) * 0.02
    W_down = jax.random.normal(ks[4], (E, H, F), dtype=jnp.float32) * 0.02
    return {"hidden_states": hidden_states, "W_router": W_router, "W_gate": W_gate, "W_up": W_up, "W_down": W_down}

def reference(hidden_states, W_router, W_gate, W_up, W_down):
    b, s, h = hidden_states.shape
    e = W_router.shape[0]
    x = hidden_states.reshape(-1, h)
    router_logits = x @ W_router.T  # [T, E]
    probs = jax.nn.softmax(router_logits, axis=-1)
    top_w, top_idx = jax.lax.top_k(probs, K)  # [T, K]
    top_w = top_w / jnp.sum(top_w, axis=-1, keepdims=True)
    # combine weights per (token, expert): sum of renormalized weights where selected
    onehot = jax.nn.one_hot(top_idx, e, dtype=top_w.dtype)  # [T, K, E]
    comb = jnp.sum(top_w[..., None] * onehot, axis=1)  # [T, E]
    out = jnp.zeros_like(x)
    for ei in range(e):
        g = x @ W_gate[ei].T  # [T, F]
        u = x @ W_up[ei].T  # [T, F]
        y = (jax.nn.silu(g) * u) @ W_down[ei].T  # [T, H]
        out = out + comb[:, ei:ei + 1] * y
    final_output = out.reshape(b, s, h)
    return (final_output, router_logits.reshape(b, s, e), top_idx.reshape(b, s, K))

if __name__ == "__main__":
    import jax
    _d = setup_inputs()
    print(jax.jit(kernel)(*tuple(_d.values())))

</pallas_src>

<mosaic_0001>
module attributes {stable_mosaic.version = 14 : i64} {
  func.func @_router_body(%arg0: memref<2048x1024xf32, #tpu.memory_space<vmem>>, %arg1: memref<8x1024xf32, #tpu.memory_space<vmem>>, %arg2: memref<2048x8xf32, #tpu.memory_space<vmem>>, %arg3: memref<2048x2xi32, #tpu.memory_space<vmem>>, %arg4: memref<2048x2xf32, #tpu.memory_space<vmem>>) attributes {dimension_semantics = [], scalar_prefetch = 0 : i64, scratch_operands = 0 : i64, tpu.core_type = #tpu.core_type<tc>} {
    %get3A = arith.constant 0 : index
    %get3A_0 = arith.constant 0 : index
    %get3A_1 = vector.load %arg0[%get3A, %get3A_0] : memref<2048x1024xf32, #tpu.memory_space<vmem>>, vector<2048x1024xf32>
    %get3A_2 = arith.constant 0 : index
    %get3A_3 = arith.constant 0 : index
    %get3A_4 = vector.load %arg1[%get3A_2, %get3A_3] : memref<8x1024xf32, #tpu.memory_space<vmem>>, vector<8x1024xf32>
    %dot_general3A = arith.constant dense<0.000000e+00> : vector<2048x8xf32>
    %dot_general3A_5 = tpu.matmul %get3A_1, %get3A_4, %dot_general3A {dimension_numbers = #tpu.dot_dimension_numbers<[1], [1], [0], [0], [0, 0, 1, 0], [], []>, transpose_lhs_hint = false} : vector<2048x1024xf32>, vector<8x1024xf32>, vector<2048x8xf32> -> vector<2048x8xf32>
    %swap3A = arith.constant 0 : index
    %swap3A_6 = arith.constant 0 : index
    %swap3A_7 = vector.load %arg2[%swap3A, %swap3A_6] : memref<2048x8xf32, #tpu.memory_space<vmem>>, vector<2048x8xf32>
    tpu.vector_store %arg2[%swap3A, %swap3A_6], %dot_general3A_5 {strides = array<i32>} : memref<2048x8xf32, #tpu.memory_space<vmem>>, vector<2048x8xf32>,
    %iota3A = tpu.iota {dimensions = array<i32: 1>} : vector<2048x8xi32>
    %reduce_max3A = arith.constant dense<0xFF800000> : vector<2048xf32>
    %reduce_max3A_8 = vector.multi_reduction <maximumf>, %dot_general3A_5, %reduce_max3A [1] : vector<2048x8xf32> to vector<2048xf32>
    %broadcast_in_dim3A = vector.shape_cast %reduce_max3A_8 : vector<2048xf32> to vector<2048x1xf32>
    %eq3A = vector.broadcast %broadcast_in_dim3A : vector<2048x1xf32> to vector<2048x8xf32>
    %eq3A_9 = arith.cmpf oeq, %dot_general3A_5, %eq3A : vector<2048x8xf32>
    %jit3A = arith.constant 8 : i32
    %broadcast_in_dim3A_10 = vector.broadcast %jit3A : i32 to vector<2048x8xi32>
    %select_n3A = arith.select %eq3A_9, %iota3A, %broadcast_in_dim3A_10 : vector<2048x8xi1>, vector<2048x8xi32>
    %reduce_min3A = arith.constant dense<2147483647> : vector<2048xi32>
    %reduce_min3A_11 = vector.multi_reduction <minsi>, %select_n3A, %reduce_min3A [1] : vector<2048x8xi32> to vector<2048xi32>
    %broadcast_in_dim3A_12 = vector.shape_cast %reduce_min3A_11 : vector<2048xi32> to vector<2048x1xi32>
    %eq3A_13 = vector.broadcast %broadcast_in_dim3A_12 : vector<2048x1xi32> to vector<2048x8xi32>
    %eq3A_14 = arith.cmpi eq, %iota3A, %eq3A_13 : vector<2048x8xi32>
    %jit3A_15 = arith.constant 0xFF800000 : f32
    %broadcast_in_dim3A_16 = vector.broadcast %jit3A_15 : f32 to vector<2048x8xf32>
    %select_n3A_17 = arith.select %eq3A_14, %broadcast_in_dim3A_16, %dot_general3A_5 : vector<2048x8xi1>, vector<2048x8xf32>
    %reduce_max3A_18 = arith.constant dense<0xFF800000> : vector<2048xf32>
    %reduce_max3A_19 = vector.multi_reduction <maximumf>, %select_n3A_17, %reduce_max3A_18 [1] : vector<2048x8xf32> to vector<2048xf32>
    %broadcast_in_dim3A_20 = vector.shape_cast %reduce_max3A_19 : vector<2048xf32> to vector<2048x1xf32>
    %eq3A_21 = vector.broadcast %broadcast_in_dim3A_20 : vector<2048x1xf32> to vector<2048x8xf32>
    %eq3A_22 = arith.cmpf oeq, %select_n3A_17, %eq3A_21 : vector<2048x8xf32>
    %jit3A_23 = arith.constant 8 : i32
    %broadcast_in_dim3A_24 = vector.broadcast %jit3A_23 : i32 to vector<2048x8xi32>
    %select_n3A_25 = arith.select %eq3A_22, %iota3A, %broadcast_in_dim3A_24 : vector<2048x8xi1>, vector<2048x8xi32>
    %reduce_min3A_26 = arith.constant dense<2147483647> : vector<2048xi32>
    %reduce_min3A_27 = vector.multi_reduction <minsi>, %select_n3A_25, %reduce_min3A_26 [1] : vector<2048x8xi32> to vector<2048xi32>
    %broadcast_in_dim3A_28 = vector.shape_cast %reduce_min3A_27 : vector<2048xi32> to vector<2048x1xi32>
    %sub3A = arith.subf %broadcast_in_dim3A, %broadcast_in_dim3A_20 : vector<2048x1xf32>
    %logistic3A = arith.negf %sub3A : vector<2048x1xf32>
    %logistic3A_29 = math.exp %logistic3A : vector<2048x1xf32>
    %logistic3A_30 = arith.constant 1.000000e+00 : f32
    %logistic3A_31 = vector.broadcast %logistic3A_30 : f32 to vector<2048x1xf32>
    %logistic3A_32 = arith.addf %logistic3A_31, %logistic3A_29 : vector<2048x1xf32>
    %logistic3A_33 = arith.divf %logistic3A_31, %logistic3A_32 : vector<2048x1xf32>
    %concatenate3A = tpu.concatenate %broadcast_in_dim3A_12, %broadcast_in_dim3A_28 in 1 : vector<2048x1xi32>, vector<2048x1xi32> -> vector<2048x2xi32>
    %swap3A_34 = arith.constant 0 : index
    %swap3A_35 = arith.constant 0 : index
    %swap3A_36 = vector.load %arg3[%swap3A_34, %swap3A_35] : memref<2048x2xi32, #tpu.memory_space<vmem>>, vector<2048x2xi32>
    tpu.vector_store %arg3[%swap3A_34, %swap3A_35], %concatenate3A {strides = array<i32>} : memref<2048x2xi32, #tpu.memory_space<vmem>>, vector<2048x2xi32>,
    %sub3A_37 = arith.constant 1.000000e+00 : f32
    %sub3A_38 = vector.broadcast %sub3A_37 : f32 to vector<2048x1xf32>
    %sub3A_39 = arith.subf %sub3A_38, %logistic3A_33 : vector<2048x1xf32>
    %concatenate3A_40 = tpu.concatenate %logistic3A_33, %sub3A_39 in 1 : vector<2048x1xf32>, vector<2048x1xf32> -> vector<2048x2xf32>
    %swap3A_41 = arith.constant 0 : index
    %swap3A_42 = arith.constant 0 : index
    %swap3A_43 = vector.load %arg4[%swap3A_41, %swap3A_42] : memref<2048x2xf32, #tpu.memory_space<vmem>>, vector<2048x2xf32>
    tpu.vector_store %arg4[%swap3A_41, %swap3A_42], %concatenate3A_40 {strides = array<i32>} : memref<2048x2xf32, #tpu.memory_space<vmem>>, vector<2048x2xf32>,
    return
  }
}

</mosaic_0001>

<sc_bundles>
// kernel: gather_offload_async_start
scs
__scs_entry_jumppad:
0x0: {  	(pc) =	sbr.rel $0x88, $3  }
0x1: {  	(tag) =	ssettag $0x0;
	lr =	simm.s32 $0x1  }
0x2: {  	[smem:$0x3F9C] =	sst lr;
	_ =	strace $0xD0000000  }
0x3: {  	_ = 	snop  }
0x4: {  	_ = 	snop  }
0x5: {  	_ = 	snop  }
0x6: {  	_ = 	snop  }
0x7: {  	_ = 	snop  }
__scs_overlays_trampoline_lowered:
0x8: {  	[smem:$0x3FAB] =	sst s0  }
0x9: {  	[smem:$0x3FAC] =	sst s1  }
0xa: {  	[smem:$0x3FAD] =	sst s2  }
0xb: {  	[smem:$0x3FAE] =	sst s3  }
0xc: {  	[smem:$0x3FAF] =	sst s4  }
0xd: {  	[smem:$0x3FB0] =	sst s5  }
0xe: {  	[smem:$0x3FB1] =	sst s6  }
0xf: {  	[smem:$0x3FB2] =	sst s7  }
0x10: {  	[smem:$0x3FB3] =	sst s8  }
0x11: {  	[smem:$0x3FB4] =	sst s9;
	s0 =	simm.s32 @!p0 $0x0  }
0x12: {  	s1 =	sld [smem:$0x3F9A];
	s0 =	simm.s32 @p0 $0x1  }
0x13: {  	[smem:$0x3FB5] =	sst s0;
	s0 =	simm.s32 @!p1 $0x0  }
0x14: {  	s2 =	sld [smem:$0x3F99];
	s0 =	simm.s32 @p1 $0x1  }
0x15: {  	[smem:$0x3FB6] =	sst s0;
	s0 =	simm.s32 @!p2 $0x0  }
0x16: {  	s3 =	sld [smem:$0x3FDB];
	s0 =	simm.s32 @p2 $0x1  }
0x17: {  	s4 =	simm.s32 $0x1BF5;
	[smem:$0x3FB8] =	sst s0  }
0x18: {  	s0 =	sld [smem:$0x3F9B];
	_ =	swait.ge [sflag:s4], $0x0  }
0x19: {  	s7 =	sld [smem:$0x3F9C]  }
0x1a: {  	s8 =	sadd.s32 $0xFFFFE003, lr  }
0x1b: {  	s9 =	sadd.s32 $0xFFFFFEF7, lr;
	s5 =	simm.s32 $0xFFFFFFFF;
	p2 =	slt.u32 s8, $0xFFFFF086  }
0x1c: {  	p1 =	slt.u32 s9, $0xF7A;
	s5 =	simm.s32 @!p2 $0x0  }
0x1d: {  	s5 =	simm.s32 @p1 $0x1;
	p0 =	seq.s32 s7, s2  }
0x1e: {  	s7 =	smul.u32 @!p0 $0xF7A, s2;
	p2 =	seq.s32 @!p0 s5, $0x0  }
0x1f: {  	s9 =	smul.u32 $0xF7A, s1;
	s8 =	simm.s32 @!p0 $0x1BF5;
	p2 =	por !p2, p0  }
0x20: {  	[sflag:s8] =	ssyncset.s32 @!p0 $0xFFFFF086;
	s6 =	sadd.s32 @!p0 s3, s7;
	s7 =	simm.s32 @!p0 $0x108  }
0x21: {  	s3 =	sadd.s32 s3, s9;
	s6 =	sadd.s32 @!p0 $0x88, s6;
	s7 =	simm.s32 @p2 $0x1082  }
0x22: {  	[simem:s7], [sflag:s8] =	dma.local @!p0 [hbm:s6], $0xF7A  }
0x23: {  	s9 =	sor.u32 $0xD0000000, s2;
	s6 =	simm.s32 $0x108;
	_ =	swait.ge @!p0 [sflag:s8], $0x0  }
0x24: {  	s3 =	sadd.s32 $0x88, s3;
	s6 =	simm.s32 @!p1 $0x1082;
	[sflag:s4] =	ssyncset.s32 $0xFFFFF086  }
0x25: {  	[simem:s6], [sflag:s4] =	dma.local [hbm:s3], $0xF7A  }
0x26: {  	[smem:$0x3F9C] =	sst s1;
	(tag) =	ssettag s2;
	_ =	strace s9  }
0x27: {  	s1 =	sld [smem:$0x3FAC]  }
0x28: {  	s2 =	sld [smem:$0x3FAD]  }
0x29: {  	s4 =	sld [smem:$0x3FAF]  }
0x2a: {  	p0 =	seq.s32 s5, $0x0;
	s5 =	sld [smem:$0x3FB0]  }
0x2b: {  	s6 =	sld [smem:$0x3FB1]  }
0x2c: {  	s7 =	sld [smem:$0x3FB2]  }
0x2d: {  	s3 =	simm.s32 $0x108;
	s8 =	sld [smem:$0x3FB3]  }
0x2e: {  	s3 =	simm.s32 @!p0 $0x1082;
	s9 =	sld [smem:$0x3FB4]  }
0x2f: {  	lr =	sadd.s32 s0, s3;
	s0 =	sld [smem:$0x3FAB]  }
0x30: {  	s3 =	sld [smem:$0x3FAE]  }
0x31: {  	[smem:$0x3FB7] =	sst s10  }
0x32: {  	s10 =	sld [smem:$0x3FB5];
	_ =	sdelay $0x3  }
0x33: {  	p0 =	seq.s32 s10, $0x1;
	s10 =	sld [smem:$0x3FB7];
	_ =	sdelay $0x3  }
0x34: {  	[smem:$0x3FB7] =	sst s10  }
0x35: {  	s10 =	sld [smem:$0x3FB6];
	_ =	sdelay $0x3  }
0x36: {  	p1 =	seq.s32 s10, $0x1;
	s10 =	sld [smem:$0x3FB7];
	_ =	sdelay $0x3  }
0x37: {  	[smem:$0x3FB7] =	sst s10  }
0x38: {  	s10 =	sld [smem:$0x3FB8]  }
0x39: {  	_ = 	snop;
	(pc) =	sbr.ind lr, $3  }
0x3a: {  	_ = 	snop  }
0x3b: {  	_ = 	snop  }
0x3c: {  	p2 =	seq.s32 s10, $0x1;
	s10 =	sld [smem:$0x3FB7]  }
0x3d: {  	_ =	shalt  }
0x3e: {  	_ =	shalt  }
0x3f: {  	_ =	shalt  }
0x40: {  	_ =	shalt  }
0x41: {  	_ =	shalt  }
0x42: {  	_ =	shalt  }
0x43: {  	_ =	shalt  }
0x44: {  	_ =	shalt  }
0x45: {  	_ =	shalt  }
0x46: {  	_ =	shalt  }
0x47: {  	_ =	shalt  }
0x48: {  	_ =	shalt  }
0x49: {  	_ =	shalt  }
0x4a: {  	_ =	shalt  }
0x4b: {  	_ =	shalt  }
0x4c: {  	_ =	shalt  }
0x4d: {  	_ =	shalt  }
0x4e: {  	_ =	shalt  }
0x4f: {  	_ =	shalt  }
0x50: {  	_ =	shalt  }
0x51: {  	_ =	shalt  }
0x52: {  	_ =	shalt  }
0x53: {  	_ =	shalt  }
0x54: {  	_ =	shalt  }
0x55: {  	_ =	shalt  }
0x56: {  	_ =	shalt  }
0x57: {  	_ =	shalt  }
0x58: {  	_ =	shalt  }
0x59: {  	_ =	shalt  }
0x5a: {  	_ =	shalt  }
0x5b: {  	_ =	shalt  }
0x5c: {  	_ =	shalt  }
0x5d: {  	_ =	shalt  }
0x5e: {  	_ =	shalt  }
0x5f: {  	_ =	shalt  }
0x60: {  	_ =	shalt  }
0x61: {  	_ =	shalt  }
0x62: {  	_ =	shalt  }
0x63: {  	_ =	shalt  }
0x64: {  	_ =	shalt  }
0x65: {  	_ =	shalt  }
0x66: {  	_ =	shalt  }
0x67: {  	_ =	shalt  }
0x68: {  	_ =	shalt  }
0x69: {  	_ =	shalt  }
0x6a: {  	_ =	shalt  }
0x6b: {  	_ =	shalt  }
0x6c: {  	_ =	shalt  }
0x6d: {  	_ =	shalt  }
0x6e: {  	_ =	shalt  }
0x6f: {  	_ =	shalt  }
0x70: {  	_ =	shalt  }
0x71: {  	_ =	shalt  }
0x72: {  	_ =	shalt  }
0x73: {  	_ =	shalt  }
0x74: {  	_ =	shalt  }
0x75: {  	_ =	shalt  }
0x76: {  	_ =	shalt  }
0x77: {  	_ =	shalt  }
0x78: {  	_ =	shalt  }
0x79: {  	_ =	shalt  }
0x7a: {  	_ =	shalt  }
0x7b: {  	_ =	shalt  }
0x7c: {  	_ =	shalt  }
0x7d: {  	_ =	shalt  }
0x7e: {  	_ =	shalt  }
0x7f: {  	_ =	shalt  }
0x80: {  	_ =	shalt  }
0x81: {  	_ =	shalt  }
0x82: {  	_ =	shalt  }
0x83: {  	_ =	shalt  }
0x84: {  	_ =	shalt  }
0x85: {  	_ =	shalt  }
0x86: {  	_ =	shalt  }
0x87: {  	_ =	shalt  }
.Lfunc_end0:
.L_simem_size_0:
called_computation.1_lowered:
.L_overlay_start_0:
0x88: {  	s2 =	sld [smem:$0x3FD9]  }
0x89: {  	s3 =	sld [smem:$0x3FFE];
	_ =	sdelay $0x1  }
0x8a: {  	s1 =	srdreg.scid  }
0x8b: {  	s0 =	sand.u32 $0x1, s1  }
0x8c: {  	s14 =	sshll.u32 s0, $0xA;
	s2 =	sadd.s32 s3, s2  }
0x8d: {  	s2 =	sadd.s32 s2, s14  }
0x8e: {  	[smem:$0x3FC3] =	sst s2  }
0x8f: {  	_ = 	snop  }
0x90: {  	s2 =	sld [smem:$0x3FD0];
	_ =	sdelay $0x2  }
0x91: {  	s15 =	simm.s32 $0xA;
	s4 =	simm.s32 $0x10  }
0x92: {  	[smem:s4], [sflag:s15] =	dma.local [hbm:s2], $0x1  }
0x93: {  	_ =	swait.eq [sflag:s15], $0x1  }
0x94: {  	[sflag:s15] =	ssyncset.done $0x0  }
0x95: {  	[sflag:s15] =	ssyncadd.s32 $0xFFFFFFFF  }
0x96: {  	s16 =	sld [smem:$0x10];
	(tm) =	ssettm $0x1  }
0x97: {  	s17 =	sld [smem:$0x3FFB];
	_ =	sdelay $0x3  }
0x98: {  	_ =	strace s17  }
0x99: {  	s3 =	sld [smem:$0x3FFC];
	_ =	sdelay $0x3  }
0x9a: {  	_ =	strace s3  }
0x9b: {  	s3 =	sld [smem:$0x3FFD];
	_ =	sdelay $0x3  }
0x9c: {  	_ =	strace s3  }
0x9d: {  	_ =	strace $0x8FFFFFFF  }
0x9e: {  	s18 =	sld [smem:$0x3FDB];
	_ =	sdelay $0x1  }
0x9f: {  	s19 =	simm.s32 $_scs_section_size  }
0xa0: {  	s5 =	simm.s32 $_size__tile_overlayer_lowered;
	s6 =	simm.s32 $_tile_overlayer_lowered  }
0xa1: {  	s22 =	simm.s32 $0x1BFF;
	s21 =	sshll.u32 s6, $0x1;
	s3 =	sadd.s32 s19, s18  }
0xa2: {  	s7 =	simm.s32 $0x0;
	s20 =	sshll.u32 s5, $0x1;
	s5 =	sadd.s32 s21, s3  }
0xa3: {  	[timem:s7], [sflag:s22] =	dma.local [hbm:s5], s20  }
0xa4: {  	_ =	swait.ge [sflag:s22], s20  }
0xa5: {  	s4 =	ssub.s32 $0x0, s20;
	[sflag:s22] =	ssyncset.done $0x0  }
0xa6: {  	[sflag:s22] =	ssyncadd.s32 s4;
	_ =	sdelay $0x1  }
0xa7: {  	s23 =	simm.s32 $0x1B8B  }
0xa8: {  	_ =	swait.ge [sflag:s23], $0x1  }
0xa9: {  	[sflag:s23] =	ssyncset.done $0x0  }
0xaa: {  	s25 =	simm.s32 $0x1B8E;
	s24 =	sld [smem:$0x3FFE];
	[sflag:s23] =	ssyncadd.s32 $0xFFFFFFFF  }
0xab: {  	s26 =	simm.s32 $execute0_lowered;
	[smem:$0x3FD2] =	sst s25  }
0xac: {  	s5 =	sshll.u32 s26, $0x1;
	_ =	strace $0x80000049;
	[dreg:$0x1] =	wrdreg $0xFFFFFFFF  }
0xad: {  	s28 =	simm.s32 $_size_execute0_lowered;
	s3 =	sadd.s32 s3, s5;
	[dreg:$0x0] =	wrdreg $0x0  }
0xae: {  	s5 =	sshll.u32 s28, $0x1;
	[dreg:$0x2] =	wrdreg s3  }
0xaf: {  	[dreg:$0x3] =	wrdreg s5  }
0xb0: {  	[dreg:$0x4] =	wrdreg $0xC0  }
0xb1: {  	_ =	task [dreg:s7], $0x5FFFF  }
0xb2: {  	[dreg:$0x1] =	wrdreg $0xFFFFFFFF  }
0xb3: {  	[dreg:$0x0] =	wrdreg $0x60  }
0xb4: {  	[dreg:$0x2] =	wrdreg s16  }
0xb5: {  	[dreg:$0x3] =	wrdreg s24  }
0xb6: {  	[dreg:$0x4] =	wrdreg $0x9  }
0xb7: {  	_ =	task.clear_ibuf [dreg:s7], $0x5FFFF;
	_ =	strace $0x90000049  }
0xb8: {  	s29 =	simm.s32 $0x9;
	_ =	strace $0x8000004B  }
0xb9: {  	_ =	swait.ge [sflag:s29], $0x1  }
0xba: {  	[sflag:s29] =	ssyncadd.s32 $0xFFFFFFFF  }
0xbb: {  	_ =	strace $0x9000004B  }
0xbc: {  	_ =	sfence  }
0xbd: {  	s30 =	sld [smem:$0x0];
	_ =	sdelay $0x2  }
0xbe: {  	s31 =	sshll.u32 s1, $0xD;
	s1 =	sshrl.u32 s1, $0x2  }
0xbf: {  	s3 =	sand.u32 $0x4000, s31;
	s1 =	sadd.s32 s1, s30  }
0xc0: {  	s0 =	sor.u32 s3, s0;
	s1 =	sshll.u32 s1, $0x11  }
0xc1: {  	s0 =	sor.u32 s1, s0  }
0xc2: {  	s0 =	sadd.s32 $0x8F2B, s0  }
0xc3: {  	[sflag:s0] =	ssyncadd.remote.s32 $0x1  }
0xc4: {  	_ =	sfence.sel $0xFFFF  }
0xc5: {  	[dreg:$0x0] =	wrdreg $0xFFFFFFFF;
	(pc) =	sbr.abs _section_cstart, $3  }
0xc6: {  	[dreg:$0x1] =	wrdreg $0xFFFFFFFF  }
0xc7: {  	_ =	task.clear_ibuf [dreg:s7], $0x2FFFF;
	_ =	strace $0x9FFFFFFF  }
0xc8: {  	(tm) =	ssettm $0x7FFFFFFF  }
0xc9: {  	_ =	shalt  }
tec
execute0_lowered:
.L_overlay_start_1:
0x0: {  	(tag) =	ssettag $0x1  }
0x1: {  	s1 =	srdreg.scid;
	s2 =	rddreg [dreg:$0x0]  }
0x2: {  	s0 =	stileid.u32;
	s5 =	rddreg [dreg:$0x1];
	s6 =	simm.s32 $0x1  }
0x3: {  	s9 =	simm.s32 $0x1;
	s10 =	simm.s32 $0x3;
	s1 =	sshll.u32 s1, $0x6  }
0x4: {  	s13 =	simm.s32 $0x0;
	s3 =	sshll.u32 s0, $0x7;
	s4 =	sand.u32 $0x40, s1  }
0x5: {  	s12 =	simm.s32 $0x0;
	s1 =	rddreg [dreg:$0x2];
	s3 =	sor.u32 s3, s4  }
0x6: {  	_ =	strace $0x8000004A;
	s4 =	sadd.s32 $0x800, s5;
	s8 =	ssub.s32 $0x1000, s3  }
.Ltmp0:
0x7: {  	s5 =	sadd.s32 $0x2600, s5;
	s7 =	sand.u32 $0x7C0, s8;
	(pc) =	sbr.rel .LBB2_1-.Ltmp0, $4  }
0x8: {  	[sflag:s6] =	ssyncpa.u1 $0x0;
	s11 =	smov.u32 s3;
	p0 =	sne.s32 s7, $0x0  }
0x9: {  	s8 =	sshrl.u32 s8, $0xB;
	s7 =	simm.s32 $0x2;
	s9 =	simm.s32 @!p0 $0x0  }
0xa: {  	[sflag:s7] =	ssyncpa.u1 $0x0;
	p0 =	por $0x0, $0x0;
	s8 =	sadd.s32 s9, s8  }
0xb: {  	vm0 =	vmmov $0xffff;
	[sflag:s10] =	ssyncpa.u1 $0x0;
	s10 =	simm.s32 $0x0;
	s9 =	sadd.s32 $0x1, s8  }
.LBB2_4:
0xc: {  	v2 =	vnsel vm1, $0x0, v2  }
0xd: {  	vm1 =	vgt.s32 v0, $0x0;
	v2 =	vmin.u32 v2, $0xFFF  }
0xe: {  	v0 =	vnsel vm1, $0x0, v0  }
0xf: {  	v0 =	vmin.u32 v0, $0xFFF  }
0x10: {  	[tilespmem:s15], [sflag:$0x1] =	stream.indirect_vreg.gather [hbm4b:s2+s10], $0x1, v1, vm0, $0x4038;
	[tilespmem:$0x100] =	vst v63  }
0x11: {  	(ifvalue) =	ssetifvalue $0x7FFFFFFF  }
0x12: {  	[tilespmem:s16], [sflag:$0x1] =	stream.indirect_vreg.gather [hbm4b:s2+s10], $0x1, v2, vm0, $0x4038;
	[tilespmem:$0x100] =	vst v63  }
0x13: {  	s29 =	sadd.s32 $0x10, s16;
	(ifvalue) =	ssetifvalue $0x7FFFFFFF  }
0x14: {  	[tilespmem:s29], [sflag:$0x1] =	stream.indirect_vreg.gather [hbm4b:s2+s10], $0x1, v0, vm0, $0x4038;
	[tilespmem:$0x100] =	vst v63  }
0x15: {  	_ =	swait.ge [sflag:s6], $0x40  }
0x16: {  	s30 =	sshrl.u32 s13, $0x3;
	[sflag:s6] =	ssyncset.done $0x0  }
0x17: {  	s31 =	sand.u32 $0x7, s13;
	s15 =	sadd.s32 s5, s30;
	[sflag:s6] =	ssyncadd.s32 $0xFFFFFFC0  }
0x18: {  	[hbm4b:s15+s31] =	stream.linear.scatter [tilespmem:s14], [sflag:$0x3], $0x40, $0x38;
	[tilespmem:$0x100] =	vst v63  }
.LBB2_5:
0x19: {  	s15 =	sadd.s32 $0x800, s11  }
0x1a: {  	p2 =	sgt.s32 s15, $0xFFF  }
0x1b: {  	s15 =	smov.u32 @p2 s3;
	p2 =	sne.s32 s12, s9  }
.Ltmp1:
0x1c: {  	p1 =	slt.u32 s12, $0x2;
	(pc) =	sbr.rel @!p2 .LBB2_6-.Ltmp1, $4  }
0x1d: {  	s14 =	simm.s32 @!p1 $0x3  }
0x1e: {  	s16 =	sadd.s32 $0x1, s12;
	_ =	swait.ge @!p1 [sflag:s14], $0x40  }
0x1f: {  	s13 =	smov.u32 s11;
	p0 =	por !p0, !p0;
	[sflag:s14] =	ssyncset.done @!p1 $0x0  }
0x20: {  	s12 =	smov.u32 s16;
	s11 =	smov.u32 s15;
	[sflag:s14] =	ssyncadd.s32 @!p1 $0xFFFFFFC0  }
.LBB2_1:
0x21: {  	p1 =	sge.u32 s12, s8  }
0x22: {  	s14 =	sxor.u32 @!p1 $0xFFFFFFFF, s12  }
0x23: {  	s31 =	sadd.s32 $0xFFFFFFFF, s12;
	s15 =	sshrl.u32 @!p1 s11, $0x3;
	s14 =	sshll.u32 @!p1 s14, $0x6  }
0x24: {  	s16 =	sand.u32 @!p1 $0x7, s11;
	s15 =	sadd.s32 @!p1 s4, s15;
	s14 =	sand.u32 @!p1 $0x40, s14  }
0x25: {  	[tilespmem:s14], [sflag:$0x2] =	stream.linear.gather @!p1 [hbm4b:s15+s16], $0x40, $0x38;
	[tilespmem:$0x100] =	vst v63  }
0x26: {  	p1 =	sge.u32 s31, s8  }
.Ltmp2:
0x27: {  	_ = 	snop;
	(pc) =	sbr.rel @p1 .LBB2_5-.Ltmp2, $1  }
0x28: {  	_ =	sdelay $0x3  }
0x29: {  	s14 =	simm.s32 $0x1  }
0x2a: {  	_ =	swait.ge [sflag:s7], $0x40;
	s14 =	simm.s32 @!p0 $0x0  }
0x2b: {  	[sflag:s7] =	ssyncset.done $0x0;
	s14 =	sshll.u32 s14, $0x6  }
0x2c: {  	[sflag:s7] =	ssyncadd.s32 $0xFFFFFFC0;
	(ifvalue) =	ssetifvalue $0x7FFFFFFF;
	v0 =	vld.msk [tilespmem:s14+$0x0 ss:$0x1], $0xffff;
	_ =	sdelay $0x4  }
0x2d: {  	s15 =	sadd.s32 $0x10, s14;
	vm1 =	vgt.s32 v0, $0x0  }
0x2e: {  	v2 =	vld.msk [tilespmem:s15+$0x0 ss:$0x1], $0xffff;
	v1 =	vnsel vm1, $0x0, v0  }
0x2f: {  	v1 =	vmin.u32 v1, $0xFFF;
	_ =	sdelay $0x1  }
0x30: {  	s16 =	sshll.u32 s12, $0x6;
	s18 =	simm.s32 $0x20  }
0x31: {  	s16 =	sand.u32 $0x40, s16;
	s17 =	sadd.s32 $0x10, s15;
	s15 =	sor.u32 $0x80, s14  }
0x32: {  	s14 =	sor.u32 $0x80, s16;
	s16 =	sadd.s32 $0x10, s15;
	v0 =	vld.msk [tilespmem:s17+$0x0 ss:$0x1], $0xffff;
	vm1 =	vgt.s32 v2, $0x0;
	(ifvalue) =	ssetifvalue $0x7FFFFFFF  }
.LBB2_3:
0x33: {  	[tilespmem:s15], [sflag:$0x1] =	stream.indirect_vreg.gather [hbm4b:s2+s10], $0x1, v1, vm0, $0x4038;
	[tilespmem:$0x100] =	vst v63  }
0x34: {  	s18 =	sadd.s32 $0x10, s18  }
0x35: {  	v2 =	vnsel vm1, $0x0, v2;
	p1 =	slt.u32 s18, $0x30  }
.Ltmp3:
0x36: {  	s15 =	smov.u32 s16;
	v1 =	vmin.u32 v2, $0xFFF;
	(pc) =	sbr.rel @p1 .LBB2_3-.Ltmp3, $3  }
0x37: {  	_ =	sdelay $0x1  }
0x38: {  	s17 =	sadd.s32 $0x10, s17  }
0x39: {  	vm1 =	vgt.s32 v0, $0x0;
	s16 =	sadd.s32 $0x10, s16;
	v2 =	vmov v0;
	(ifvalue) =	ssetifvalue $0x7FFFFFFF;
	v0 =	vld.msk [tilespmem:s17+$0x0 ss:$0x1], $0xffff  }
.Ltmp4:
0x3a: {  	_ = 	snop;
	(pc) =	sbr.rel .LBB2_4-.Ltmp4, $1  }
0x3b: {  	_ =	sdelay $0x3  }
.LBB2_6:
0x3c: {  	_ =	sfence.sel $0x180000  }
0x3d: {  	s2 =	simm.s32 $0x2;
	[bflag:$0x0] =	sbarrier.arrive $0xFFFF  }
0x3e: {  	s30 =	simm.s32 $0x3;
	[sflag:s2] =	ssyncpa.u1 $0x1  }
0x3f: {  	s31 =	simm.s32 $0x1;
	[sflag:s30] =	ssyncpa.u1 $0x1  }
0x40: {  	[sflag:s31] =	ssyncpa.u1 $0x1  }
0x41: {  	p0 =	sne.s32 s0, $0x0;
	_ =	strace $0x9000004A  }
0x42: {  	s0 =	sadd.s32 @!p0 $0x100000, s1;
	[bflag:$0x2] =	sbarrier.arrive $0xFFFF  }
0x43: {  	[sflag:s0] =	ssyncadd.tile.s32 @!p0 $0x1;
	_ =	shalt  }
.Lfunc_end2:
_tile_overlayer_lowered:
.L_overlay_start_2:
0x44: {  	(tag) =	ssettag $0x2  }
0x45: {  	s0 =	rddreg [dreg:$0x0];
	s2 =	stileid.u32  }
0x46: {  	s1 =	rddreg [dreg:$0x1];
	p0 =	sne.s32 s2, $0x0  }
0x47: {  	s3 =	rddreg [dreg:$0x2];
	[bflag:$0x3] =	sbarrier.arrive $0xFFFF;
	s2 =	simm.s32 @!p0 $0x1C01  }
0x48: {  	[timem:s3], [sflag:s2] =	dma.local @!p0 [hbm:s0], s1  }
0x49: {  	s0 =	simm.s32 @!p0 $0x1  }
0x4a: {  	_ =	swait.ge @!p0 [sflag:s0], s1  }
0x4b: {  	s1 =	ssub.s32 @!p0 $0x0, s1;
	[sflag:s0] =	ssyncset.done @!p0 $0x0  }
0x4c: {  	[sflag:s0] =	ssyncadd.s32 @!p0 s1  }
0x4d: {  	[bflag:$0x3] =	sbarrier.arrive $0xFFFF  }
0x4e: {  	_ =	shalt  }

// kernel: scatter_offload_async_start
scs
__scs_entry_jumppad:
0x0: {  	(pc) =	sbr.rel $0x88, $3  }
0x1: {  	(tag) =	ssettag $0x0;
	lr =	simm.s32 $0x1  }
0x2: {  	[smem:$0x3F9C] =	sst lr;
	_ =	strace $0xD0000000  }
0x3: {  	_ = 	snop  }
0x4: {  	_ = 	snop  }
0x5: {  	_ = 	snop  }
0x6: {  	_ = 	snop  }
0x7: {  	_ = 	snop  }
__scs_overlays_trampoline_lowered:
0x8: {  	[smem:$0x3FAB] =	sst s0  }
0x9: {  	[smem:$0x3FAC] =	sst s1  }
0xa: {  	[smem:$0x3FAD] =	sst s2  }
0xb: {  	[smem:$0x3FAE] =	sst s3  }
0xc: {  	[smem:$0x3FAF] =	sst s4  }
0xd: {  	[smem:$0x3FB0] =	sst s5  }
0xe: {  	[smem:$0x3FB1] =	sst s6  }
0xf: {  	[smem:$0x3FB2] =	sst s7  }
0x10: {  	[smem:$0x3FB3] =	sst s8  }
0x11: {  	[smem:$0x3FB4] =	sst s9;
	s0 =	simm.s32 @!p0 $0x0  }
0x12: {  	s1 =	sld [smem:$0x3F9A];
	s0 =	simm.s32 @p0 $0x1  }
0x13: {  	[smem:$0x3FB5] =	sst s0;
	s0 =	simm.s32 @!p1 $0x0  }
0x14: {  	s2 =	sld [smem:$0x3F99];
	s0 =	simm.s32 @p1 $0x1  }
0x15: {  	[smem:$0x3FB6] =	sst s0;
	s0 =	simm.s32 @!p2 $0x0  }
0x16: {  	s3 =	sld [smem:$0x3FDB];
	s0 =	simm.s32 @p2 $0x1  }
0x17: {  	s4 =	simm.s32 $0x1BF5;
	[smem:$0x3FB8] =	sst s0  }
0x18: {  	s0 =	sld [smem:$0x3F9B];
	_ =	swait.ge [sflag:s4], $0x0  }
0x19: {  	s7 =	sld [smem:$0x3F9C]  }
0x1a: {  	s8 =	sadd.s32 $0xFFFFE003, lr  }
0x1b: {  	s9 =	sadd.s32 $0xFFFFFEF7, lr;
	s5 =	simm.s32 $0xFFFFFFFF;
	p2 =	slt.u32 s8, $0xFFFFF086  }
0x1c: {  	p1 =	slt.u32 s9, $0xF7A;
	s5 =	simm.s32 @!p2 $0x0  }
0x1d: {  	s5 =	simm.s32 @p1 $0x1;
	p0 =	seq.s32 s7, s2  }
0x1e: {  	s7 =	smul.u32 @!p0 $0xF7A, s2;
	p2 =	seq.s32 @!p0 s5, $0x0  }
0x1f: {  	s9 =	smul.u32 $0xF7A, s1;
	s8 =	simm.s32 @!p0 $0x1BF5;
	p2 =	por !p2, p0  }
0x20: {  	[sflag:s8] =	ssyncset.s32 @!p0 $0xFFFFF086;
	s6 =	sadd.s32 @!p0 s3, s7;
	s7 =	simm.s32 @!p0 $0x108  }
0x21: {  	s3 =	sadd.s32 s3, s9;
	s6 =	sadd.s32 @!p0 $0x88, s6;
	s7 =	simm.s32 @p2 $0x1082  }
0x22: {  	[simem:s7], [sflag:s8] =	dma.local @!p0 [hbm:s6], $0xF7A  }
0x23: {  	s9 =	sor.u32 $0xD0000000, s2;
	s6 =	simm.s32 $0x108;
	_ =	swait.ge @!p0 [sflag:s8], $0x0  }
0x24: {  	s3 =	sadd.s32 $0x88, s3;
	s6 =	simm.s32 @!p1 $0x1082;
	[sflag:s4] =	ssyncset.s32 $0xFFFFF086  }
0x25: {  	[simem:s6], [sflag:s4] =	dma.local [hbm:s3], $0xF7A  }
0x26: {  	[smem:$0x3F9C] =	sst s1;
	(tag) =	ssettag s2;
	_ =	strace s9  }
0x27: {  	s1 =	sld [smem:$0x3FAC]  }
0x28: {  	s2 =	sld [smem:$0x3FAD]  }
0x29: {  	s4 =	sld [smem:$0x3FAF]  }
0x2a: {  	p0 =	seq.s32 s5, $0x0;
	s5 =	sld [smem:$0x3FB0]  }
0x2b: {  	s6 =	sld [smem:$0x3FB1]  }
0x2c: {  	s7 =	sld [smem:$0x3FB2]  }
0x2d: {  	s3 =	simm.s32 $0x108;
	s8 =	sld [smem:$0x3FB3]  }
0x2e: {  	s3 =	simm.s32 @!p0 $0x1082;
	s9 =	sld [smem:$0x3FB4]  }
0x2f: {  	lr =	sadd.s32 s0, s3;
	s0 =	sld [smem:$0x3FAB]  }
0x30: {  	s3 =	sld [smem:$0x3FAE]  }
0x31: {  	[smem:$0x3FB7] =	sst s10  }
0x32: {  	s10 =	sld [smem:$0x3FB5];
	_ =	sdelay $0x3  }
0x33: {  	p0 =	seq.s32 s10, $0x1;
	s10 =	sld [smem:$0x3FB7];
	_ =	sdelay $0x3  }
0x34: {  	[smem:$0x3FB7] =	sst s10  }
0x35: {  	s10 =	sld [smem:$0x3FB6];
	_ =	sdelay $0x3  }
0x36: {  	p1 =	seq.s32 s10, $0x1;
	s10 =	sld [smem:$0x3FB7];
	_ =	sdelay $0x3  }
0x37: {  	[smem:$0x3FB7] =	sst s10  }
0x38: {  	s10 =	sld [smem:$0x3FB8]  }
0x39: {  	_ = 	snop;
	(pc) =	sbr.ind lr, $3  }
0x3a: {  	_ = 	snop  }
0x3b: {  	_ = 	snop  }
0x3c: {  	p2 =	seq.s32 s10, $0x1;
	s10 =	sld [smem:$0x3FB7]  }
0x3d: {  	_ =	shalt  }
0x3e: {  	_ =	shalt  }
0x3f: {  	_ =	shalt  }
0x40: {  	_ =	shalt  }
0x41: {  	_ =	shalt  }
0x42: {  	_ =	shalt  }
0x43: {  	_ =	shalt  }
0x44: {  	_ =	shalt  }
0x45: {  	_ =	shalt  }
0x46: {  	_ =	shalt  }
0x47: {  	_ =	shalt  }
0x48: {  	_ =	shalt  }
0x49: {  	_ =	shalt  }
0x4a: {  	_ =	shalt  }
0x4b: {  	_ =	shalt  }
0x4c: {  	_ =	shalt  }
0x4d: {  	_ =	shalt  }
0x4e: {  	_ =	shalt  }
0x4f: {  	_ =	shalt  }
0x50: {  	_ =	shalt  }
0x51: {  	_ =	shalt  }
0x52: {  	_ =	shalt  }
0x53: {  	_ =	shalt  }
0x54: {  	_ =	shalt  }
0x55: {  	_ =	shalt  }
0x56: {  	_ =	shalt  }
0x57: {  	_ =	shalt  }
0x58: {  	_ =	shalt  }
0x59: {  	_ =	shalt  }
0x5a: {  	_ =	shalt  }
0x5b: {  	_ =	shalt  }
0x5c: {  	_ =	shalt  }
0x5d: {  	_ =	shalt  }
0x5e: {  	_ =	shalt  }
0x5f: {  	_ =	shalt  }
0x60: {  	_ =	shalt  }
0x61: {  	_ =	shalt  }
0x62: {  	_ =	shalt  }
0x63: {  	_ =	shalt  }
0x64: {  	_ =	shalt  }
0x65: {  	_ =	shalt  }
0x66: {  	_ =	shalt  }
0x67: {  	_ =	shalt  }
0x68: {  	_ =	shalt  }
0x69: {  	_ =	shalt  }
0x6a: {  	_ =	shalt  }
0x6b: {  	_ =	shalt  }
0x6c: {  	_ =	shalt  }
0x6d: {  	_ =	shalt  }
0x6e: {  	_ =	shalt  }
0x6f: {  	_ =	shalt  }
0x70: {  	_ =	shalt  }
0x71: {  	_ =	shalt  }
0x72: {  	_ =	shalt  }
0x73: {  	_ =	shalt  }
0x74: {  	_ =	shalt  }
0x75: {  	_ =	shalt  }
0x76: {  	_ =	shalt  }
0x77: {  	_ =	shalt  }
0x78: {  	_ =	shalt  }
0x79: {  	_ =	shalt  }
0x7a: {  	_ =	shalt  }
0x7b: {  	_ =	shalt  }
0x7c: {  	_ =	shalt  }
0x7d: {  	_ =	shalt  }
0x7e: {  	_ =	shalt  }
0x7f: {  	_ =	shalt  }
0x80: {  	_ =	shalt  }
0x81: {  	_ =	shalt  }
0x82: {  	_ =	shalt  }
0x83: {  	_ =	shalt  }
0x84: {  	_ =	shalt  }
0x85: {  	_ =	shalt  }
0x86: {  	_ =	shalt  }
0x87: {  	_ =	shalt  }
.Lfunc_end0:
.L_simem_size_0:
called_computation_lowered:
.L_overlay_start_0:
0x88: {  	s0 =	sld [smem:$0x3FD9]  }
0x89: {  	s1 =	sld [smem:$0x3FFE];
	_ =	sdelay $0x3  }
0x8a: {  	s0 =	sadd.s32 s1, s0  }
0x8b: {  	[smem:$0x3FC3] =	sst s0  }
0x8c: {  	_ = 	snop  }
0x8d: {  	(tm) =	ssettm $0x1  }
0x8e: {  	s15 =	sld [smem:$0x3FFB];
	_ =	sdelay $0x3  }
0x8f: {  	_ =	strace s15  }
0x90: {  	s0 =	sld [smem:$0x3FFC];
	_ =	sdelay $0x3  }
0x91: {  	_ =	strace s0  }
0x92: {  	s0 =	sld [smem:$0x3FFD];
	_ =	sdelay $0x3  }
0x93: {  	_ =	strace s0  }
0x94: {  	_ =	strace $0x8FFFFFFF  }
0x95: {  	s16 =	sld [smem:$0x3FDB];
	_ =	sdelay $0x1  }
0x96: {  	s17 =	simm.s32 $_scs_section_size  }
0x97: {  	s2 =	simm.s32 $_size__tile_overlayer_lowered;
	s3 =	simm.s32 $_tile_overlayer_lowered  }
0x98: {  	s20 =	simm.s32 $0x1BFF;
	s19 =	sshll.u32 s3, $0x1;
	s0 =	sadd.s32 s17, s16  }
0x99: {  	s4 =	simm.s32 $0x0;
	s18 =	sshll.u32 s2, $0x1;
	s2 =	sadd.s32 s19, s0  }
0x9a: {  	[timem:s4], [sflag:s20] =	dma.local [hbm:s2], s18  }
0x9b: {  	_ =	swait.ge [sflag:s20], s18  }
0x9c: {  	s1 =	ssub.s32 $0x0, s18;
	[sflag:s20] =	ssyncset.done $0x0  }
0x9d: {  	[sflag:s20] =	ssyncadd.s32 s1;
	_ =	sdelay $0x1  }
0x9e: {  	s21 =	simm.s32 $0x1B8B  }
0x9f: {  	_ =	swait.ge [sflag:s21], $0x1  }
0xa0: {  	[sflag:s21] =	ssyncset.done $0x0  }
0xa1: {  	s23 =	simm.s32 $0x1B8E;
	s22 =	sld [smem:$0x3FFE];
	[sflag:s21] =	ssyncadd.s32 $0xFFFFFFFF  }
0xa2: {  	s24 =	simm.s32 $execute0_lowered;
	[smem:$0x3FD2] =	sst s23  }
0xa3: {  	s2 =	sshll.u32 s24, $0x1;
	_ =	strace $0x80000046;
	[dreg:$0x1] =	wrdreg $0xFFFFFFFF  }
0xa4: {  	s25 =	simm.s32 $_size_execute0_lowered;
	s0 =	sadd.s32 s0, s2;
	[dreg:$0x0] =	wrdreg $0x0  }
0xa5: {  	s2 =	sshll.u32 s25, $0x1;
	[dreg:$0x2] =	wrdreg s0  }
0xa6: {  	[dreg:$0x3] =	wrdreg s2  }
0xa7: {  	[dreg:$0x4] =	wrdreg $0xC0  }
0xa8: {  	_ =	task [dreg:s4], $0x5FFFF  }
0xa9: {  	[dreg:$0x1] =	wrdreg $0xFFFFFFFF  }
0xaa: {  	[dreg:$0x0] =	wrdreg $0x60  }
0xab: {  	[dreg:$0x2] =	wrdreg s22  }
0xac: {  	[dreg:$0x3] =	wrdreg $0x9  }
0xad: {  	_ =	task.clear_ibuf [dreg:s4], $0x4FFFF;
	_ =	strace $0x90000046  }
0xae: {  	s26 =	simm.s32 $0x9;
	_ =	strace $0x80000048  }
0xaf: {  	_ =	swait.ge [sflag:s26], $0x1  }
0xb0: {  	[sflag:s26] =	ssyncadd.s32 $0xFFFFFFFF  }
0xb1: {  	_ =	strace $0x90000048  }
0xb2: {  	_ =	sfence  }
0xb3: {  	s28 =	sld [smem:$0x0];
	_ =	sdelay $0x1  }
0xb4: {  	s29 =	srdreg.scid  }
0xb5: {  	s30 =	sshll.u32 s29, $0xD;
	s31 =	sshrl.u32 s29, $0x2  }
0xb6: {  	s1 =	sand.u32 $0x1, s29;
	s2 =	sand.u32 $0x4000, s30;
	s0 =	sadd.s32 s31, s28  }
0xb7: {  	s1 =	sor.u32 s2, s1;
	s0 =	sshll.u32 s0, $0x11  }
0xb8: {  	s0 =	sor.u32 s0, s1  }
0xb9: {  	s0 =	sadd.s32 $0x8F2B, s0  }
0xba: {  	[sflag:s0] =	ssyncadd.remote.s32 $0x1  }
0xbb: {  	_ =	sfence.sel $0xFFFF  }
0xbc: {  	[dreg:$0x0] =	wrdreg $0xFFFFFFFF;
	(pc) =	sbr.abs _section_cstart, $3  }
0xbd: {  	[dreg:$0x1] =	wrdreg $0xFFFFFFFF  }
0xbe: {  	_ =	task.clear_ibuf [dreg:s4], $0x2FFFF;
	_ =	strace $0x9FFFFFFF  }
0xbf: {  	(tm) =	ssettm $0x7FFFFFFF  }
tec
execute0_lowered:
.L_overlay_start_1:
0x0: {  	(tag) =	ssettag $0x1  }
0x1: {  	s5 =	rddreg [dreg:$0x0]  }
0x2: {  	s0 =	rddreg [dreg:$0x1];
	_ =	strace $0x80000047;
	s6 =	stileid.u32  }
0x3: {  	s3 =	simm.s32 $0x3E;
	s1 =	sadd.s32 $0x400, s5;
	p0 =	sne.s32 s6, $0x0  }
0x4: {  	[sflag:s3] =	ssyncpa.u1 $0x0;
	s4 =	simm.s32 @!p0 $0x1C3E;
	s2 =	simm.s32 @!p0 $0x0  }
0x5: {  	[spmem:s2], [sflag:s4] =	dma.local @!p0 [hbm:s1], $0x10  }
0x6: {  	s4 =	simm.s32 @!p0 $0x3E  }
0x7: {  	_ =	swait.ge @!p0 [sflag:s4], $0x10  }
0x8: {  	[sflag:s4] =	ssyncset.done @!p0 $0x0  }
0x9: {  	s9 =	simm.s32 $0x108;
	[sflag:s4] =	ssyncadd.s32 @!p0 $0xFFFFFFF0  }
0xa: {  	s7 =	sadd.s32 $0x200, s5;
	s8 =	sadd.s32 $0x600, s5;
	[bflag:$0x0] =	sbarrier.arrive $0xFFFF  }
0xb: {  	s6 =	sshll.u32 s6, $0x5;
	[sflag:s3] =	ssyncpa.u1 $0x1;
	s3 =	simm.s32 $0x1  }
0xc: {  	s5 =	simm.s32 $0x0;
	s4 =	simm.s32 $0x2;
	[sflag:s3] =	ssyncpa.u1 $0x0  }
0xd: {  	s7 =	sadd.s32 s7, s6;
	(ifvalue) =	ssetifvalue $0x80;
	[sflag:s4] =	ssyncpa.u1 $0x0  }
0xe: {  	[tilespmem:s9], [sflag:$0x2] =	stream.linear.gather [hbm4b:s7+s5], $0x100, $0x38;
	[tilespmem:$0x408] =	vst v63  }
0xf: {  	s23 =	simm.s32 $0x308;
	s6 =	sadd.s32 s8, s6  }
0x10: {  	[tilespmem:s23], [sflag:$0x2] =	stream.linear.gather [hbm4b:s6+s5], $0x100, $0x38;
	[tilespmem:$0x408] =	vst v63  }
0x11: {  	_ =	swait.ge [sflag:s4], $0x200  }
0x12: {  	[sflag:s4] =	ssyncset.done $0x0  }
0x13: {  	[sflag:s4] =	ssyncadd.s32 $0xFFFFFE00  }
0x14: {  	v0 =	vld.msk [tilespmem:s9+$0x0 ss:$0x1], $0xffff;
	_ =	sdelay $0x4  }
0x15: {  	v0 =	vmin.u32 v0, $0x80;
	_ =	sdelay $0x3  }
0x16: {  	vm0 =	vmmov $0xffff;
	s24 =	simm.s32 $0x118  }
0x17: {  	[spmem:s5] =	stream.indirect_vreg.scatter.add.s32 [tilespmem:s23], [sflag:$0x1], $0x1, v0, vm0, $0x4038;
	[tilespmem:$0x408] =	vst v63  }
0x18: {  	v0 =	vld.msk [tilespmem:s24+$0x0 ss:$0x1], $0xffff;
	_ =	sdelay $0x4  }
0x19: {  	v0 =	vmin.u32 v0, $0x80;
	_ =	sdelay $0x3  }
0x1a: {  	s25 =	simm.s32 $0x318;
	s26 =	simm.s32 $0x128  }
0x1b: {  	[spmem:s5] =	stream.indirect_vreg.scatter.add.s32 [tilespmem:s25], [sflag:$0x1], $0x1, v0, vm0, $0x4038;
	[tilespmem:$0x408] =	vst v63  }
0x1c: {  	v0 =	vld.msk [tilespmem:s26+$0x0 ss:$0x1], $0xffff;
	_ =	sdelay $0x4  }
0x1d: {  	v0 =	vmin.u32 v0, $0x80;
	_ =	sdelay $0x3  }
0x1e: {  	s28 =	simm.s32 $0x328;
	s29 =	simm.s32 $0x138  }
0x1f: {  	[spmem:s5] =	stream.indirect_vreg.scatter.add.s32 [tilespmem:s28], [sflag:$0x1], $0x1, v0, vm0, $0x4038;
	[tilespmem:$0x408] =	vst v63  }
0x20: {  	v0 =	vld.msk [tilespmem:s29+$0x0 ss:$0x1], $0xffff;
	_ =	sdelay $0x4  }
0x21: {  	v0 =	vmin.u32 v0, $0x80;
	_ =	sdelay $0x3  }
0x22: {  	s30 =	simm.s32 $0x338;
	s31 =	simm.s32 $0x148  }
0x23: {  	[spmem:s5] =	stream.indirect_vreg.scatter.add.s32 [tilespmem:s30], [sflag:$0x1], $0x1, v0, vm0, $0x4038;
	[tilespmem:$0x408] =	vst v63  }
0x24: {  	v0 =	vld.msk [tilespmem:s31+$0x0 ss:$0x1], $0xffff;
	_ =	sdelay $0x4  }
0x25: {  	v0 =	vmin.u32 v0, $0x80;
	_ =	sdelay $0x3  }
0x26: {  	s8 =	simm.s32 $0x158;
	s7 =	simm.s32 $0x348  }
0x27: {  	[spmem:s5] =	stream.indirect_vreg.scatter.add.s32 [tilespmem:s7], [sflag:$0x1], $0x1, v0, vm0, $0x4038;
	[tilespmem:$0x408] =	vst v63  }
0x28: {  	v0 =	vld.msk [tilespmem:s8+$0x0 ss:$0x1], $0xffff;
	_ =	sdelay $0x4  }
0x29: {  	v0 =	vmin.u32 v0, $0x80;
	_ =	sdelay $0x3  }
0x2a: {  	s10 =	simm.s32 $0x168;
	s9 =	simm.s32 $0x358  }
0x2b: {  	[spmem:s5] =	stream.indirect_vreg.scatter.add.s32 [tilespmem:s9], [sflag:$0x1], $0x1, v0, vm0, $0x4038;
	[tilespmem:$0x408] =	vst v63  }
0x2c: {  	v0 =	vld.msk [tilespmem:s10+$0x0 ss:$0x1], $0xffff;
	_ =	sdelay $0x4  }
0x2d: {  	v0 =	vmin.u32 v0, $0x80;
	_ =	sdelay $0x3  }
0x2e: {  	s11 =	simm.s32 $0x368;
	s12 =	simm.s32 $0x178  }
0x2f: {  	[spmem:s5] =	stream.indirect_vreg.scatter.add.s32 [tilespmem:s11], [sflag:$0x1], $0x1, v0, vm0, $0x4038;
	[tilespmem:$0x408] =	vst v63  }
0x30: {  	v0 =	vld.msk [tilespmem:s12+$0x0 ss:$0x1], $0xffff;
	_ =	sdelay $0x4  }
0x31: {  	v0 =	vmin.u32 v0, $0x80;
	_ =	sdelay $0x3  }
0x32: {  	s13 =	simm.s32 $0x378;
	s14 =	simm.s32 $0x188  }
0x33: {  	[spmem:s5] =	stream.indirect_vreg.scatter.add.s32 [tilespmem:s13], [sflag:$0x1], $0x1, v0, vm0, $0x4038;
	[tilespmem:$0x408] =	vst v63  }
0x34: {  	v0 =	vld.msk [tilespmem:s14+$0x0 ss:$0x1], $0xffff;
	_ =	sdelay $0x4  }
0x35: {  	v0 =	vmin.u32 v0, $0x80;
	_ =	sdelay $0x3  }
0x36: {  	s15 =	simm.s32 $0x388;
	s16 =	simm.s32 $0x198  }
0x37: {  	[spmem:s5] =	stream.indirect_vreg.scatter.add.s32 [tilespmem:s15], [sflag:$0x1], $0x1, v0, vm0, $0x4038;
	[tilespmem:$0x408] =	vst v63  }
0x38: {  	v0 =	vld.msk [tilespmem:s16+$0x0 ss:$0x1], $0xffff;
	_ =	sdelay $0x4  }
0x39: {  	v0 =	vmin.u32 v0, $0x80;
	_ =	sdelay $0x3  }
0x3a: {  	s17 =	simm.s32 $0x398;
	s18 =	simm.s32 $0x1A8  }
0x3b: {  	[spmem:s5] =	stream.indirect_vreg.scatter.add.s32 [tilespmem:s17], [sflag:$0x1], $0x1, v0, vm0, $0x4038;
	[tilespmem:$0x408] =	vst v63  }
0x3c: {  	v0 =	vld.msk [tilespmem:s18+$0x0 ss:$0x1], $0xffff;
	_ =	sdelay $0x4  }
0x3d: {  	v0 =	vmin.u32 v0, $0x80;
	_ =	sdelay $0x3  }
0x3e: {  	s19 =	simm.s32 $0x3A8;
	s20 =	simm.s32 $0x1B8  }
0x3f: {  	[spmem:s5] =	stream.indirect_vreg.scatter.add.s32 [tilespmem:s19], [sflag:$0x1], $0x1, v0, vm0, $0x4038;
	[tilespmem:$0x408] =	vst v63  }
0x40: {  	v0 =	vld.msk [tilespmem:s20+$0x0 ss:$0x1], $0xffff;
	_ =	sdelay $0x4  }
0x41: {  	v0 =	vmin.u32 v0, $0x80;
	_ =	sdelay $0x3  }
0x42: {  	s21 =	simm.s32 $0x3B8;
	s22 =	simm.s32 $0x1C8  }
0x43: {  	[spmem:s5] =	stream.indirect_vreg.scatter.add.s32 [tilespmem:s21], [sflag:$0x1], $0x1, v0, vm0, $0x4038;
	[tilespmem:$0x408] =	vst v63  }
0x44: {  	v0 =	vld.msk [tilespmem:s22+$0x0 ss:$0x1], $0xffff;
	_ =	sdelay $0x4  }
0x45: {  	v0 =	vmin.u32 v0, $0x80;
	_ =	sdelay $0x3  }
0x46: {  	s23 =	simm.s32 $0x3C8;
	s24 =	simm.s32 $0x1D8  }
0x47: {  	[spmem:s5] =	stream.indirect_vreg.scatter.add.s32 [tilespmem:s23], [sflag:$0x1], $0x1, v0, vm0, $0x4038;
	[tilespmem:$0x408] =	vst v63  }
0x48: {  	v0 =	vld.msk [tilespmem:s24+$0x0 ss:$0x1], $0xffff;
	_ =	sdelay $0x4  }
0x49: {  	v0 =	vmin.u32 v0, $0x80;
	_ =	sdelay $0x3  }
0x4a: {  	s25 =	simm.s32 $0x3D8;
	s26 =	simm.s32 $0x1E8  }
0x4b: {  	[spmem:s5] =	stream.indirect_vreg.scatter.add.s32 [tilespmem:s25], [sflag:$0x1], $0x1, v0, vm0, $0x4038;
	[tilespmem:$0x408] =	vst v63  }
0x4c: {  	v0 =	vld.msk [tilespmem:s26+$0x0 ss:$0x1], $0xffff;
	_ =	sdelay $0x4  }
0x4d: {  	v0 =	vmin.u32 v0, $0x80;
	_ =	sdelay $0x3  }
0x4e: {  	s28 =	simm.s32 $0x3E8;
	s29 =	simm.s32 $0x1F8  }
0x4f: {  	[spmem:s5] =	stream.indirect_vreg.scatter.add.s32 [tilespmem:s28], [sflag:$0x1], $0x1, v0, vm0, $0x4038;
	[tilespmem:$0x408] =	vst v63  }
0x50: {  	v0 =	vld.msk [tilespmem:s29+$0x0 ss:$0x1], $0xffff;
	_ =	sdelay $0x4  }
0x51: {  	v0 =	vmin.u32 v0, $0x80;
	_ =	sdelay $0x3  }
0x52: {  	s30 =	simm.s32 $0x3F8  }
0x53: {  	[spmem:s5] =	stream.indirect_vreg.scatter.add.s32 [tilespmem:s30], [sflag:$0x1], $0x1, v0, vm0, $0x4038;
	[tilespmem:$0x408] =	vst v63  }
0x54: {  	_ =	swait.ge [sflag:s3], $0x100  }
0x55: {  	[sflag:s3] =	ssyncset.done $0x0  }
0x56: {  	[sflag:s3] =	ssyncadd.s32 $0xFFFFFF00  }
0x57: {  	_ =	sfence.sel $0x180000  }
0x58: {  	[bflag:$0x0] =	sbarrier.arrive $0xFFFF  }
0x59: {  	[sflag:s4] =	ssyncpa.u1 $0x1  }
0x5a: {  	[sflag:s3] =	ssyncpa.u1 $0x1  }
0x5b: {  	_ =	sfence.stream.spmem  }
0x5c: {  	s31 =	simm.s32 $0x3D;
	[bflag:$0x0] =	sbarrier.arrive $0xFFFF  }
0x5d: {  	s3 =	simm.s32 @p0 $0x3D;
	[sflag:s31] =	ssyncpa.u1 $0x0  }
0x5e: {  	[sflag:s3] =	ssyncpa.u1 @p0 $0x1  }
0x5f: {  	[bflag:$0x0] =	sbarrier.arrive @p0 $0xFFFF  }
0x60: {  	_ =	strace @p0 $0x90000047  }
0x61: {  	s3 =	simm.s32 @!p0 $0x1C3D;
	[bflag:$0x2] =	sbarrier.arrive @p0 $0xFFFF  }
0x62: {  	[hbm:s1], [sflag:s3] =	dma.local @!p0 [spmem:s2], $0x10  }
0x63: {  	s1 =	simm.s32 @!p0 $0x3D  }
0x64: {  	_ =	swait.ge @!p0 [sflag:s1], $0x10  }
0x65: {  	[sflag:s1] =	ssyncset.done @!p0 $0x0  }
0x66: {  	[sflag:s1] =	ssyncadd.s32 @!p0 $0xFFFFFFF0  }
0x67: {  	[sflag:s1] =	ssyncpa.u1 @!p0 $0x1  }
0x68: {  	[bflag:$0x0] =	sbarrier.arrive @!p0 $0xFFFF  }
0x69: {  	_ =	strace @!p0 $0x90000047  }
0x6a: {  	s0 =	sadd.s32 @!p0 $0x100000, s0;
	[bflag:$0x2] =	sbarrier.arrive @!p0 $0xFFFF  }
0x6b: {  	[sflag:s0] =	ssyncadd.tile.s32 @!p0 $0x1;
	_ =	shalt  }
.Lfunc_end2:
_tile_overlayer_lowered:
.L_overlay_start_2:
0x6c: {  	(tag) =	ssettag $0x2  }
0x6d: {  	s0 =	rddreg [dreg:$0x0];
	s2 =	stileid.u32  }
0x6e: {  	s1 =	rddreg [dreg:$0x1];
	p0 =	sne.s32 s2, $0x0  }
0x6f: {  	s3 =	rddreg [dreg:$0x2];
	[bflag:$0x3] =	sbarrier.arrive $0xFFFF;
	s2 =	simm.s32 @!p0 $0x1C01  }
0x70: {  	[timem:s3], [sflag:s2] =	dma.local @!p0 [hbm:s0], s1  }
0x71: {  	s0 =	simm.s32 @!p0 $0x1  }
0x72: {  	_ =	swait.ge @!p0 [sflag:s0], s1  }
0x73: {  	s1 =	ssub.s32 @!p0 $0x0, s1;
	[sflag:s0] =	ssyncset.done @!p0 $0x0  }
0x74: {  	[sflag:s0] =	ssyncadd.s32 @!p0 s1  }
0x75: {  	[bflag:$0x3] =	sbarrier.arrive $0xFFFF  }
0x76: {  	_ =	shalt  }

</sc_bundles>
